<compile_context>
chip_gen: v7x
topology: tpu7x:2x2x1
jax: 0.10.2.dev20260603
libtpu: 0.0.44.dev20260713+nightly
codegen_flags: <defaults>
</compile_context>

<pallas_src>
import functools

import jax
import jax.numpy as jnp
from jax import lax
from jax.experimental import pallas as pl
from jax.experimental.pallas import tpu as pltpu
from jax.experimental.pallas import tpu_sc as plsc

_INFO = plsc.get_sparse_core_info()
_NC = _INFO.num_cores
_NS = _INFO.num_subcores
_NW = _NC * _NS
_L = _INFO.num_lanes

_NBUF = 5


def _gather_kernel_body(V, NB, NS_, D, table_hbm, idxT_hbm, out_hbm,
                        idx_v, b0, b1, b2, b3, b4,
                        g0, g1, g2, g3, g4, w0, w1, w2, w3, w4):
    bufs = (b0, b1, b2, b3, b4)
    gsem = (g0, g1, g2, g3, g4)
    wsem = (w0, w1, w2, w3, w4)
    b_per_w = NB // _NW
    wid = lax.axis_index("s") * _NC + lax.axis_index("c")
    base_b = wid * b_per_w

    pltpu.sync_copy(
        idxT_hbm.at[pl.ds(0, NS_), pl.ds(base_b, b_per_w)], idx_v)

    def norm_body(i, _):
        s = i // (b_per_w // _L)
        c = i % (b_per_w // _L)
        v = idx_v[s, pl.ds(c * _L, _L)]
        idx_v[s, pl.ds(c * _L, _L)] = jnp.where(v < 0, v + V, v)
        return 0

    lax.fori_loop(0, NS_ * (b_per_w // _L), norm_body, 0)

    def fire_gather(s, b):
        pltpu.async_copy(table_hbm.at[idx_v.at[s]], bufs[b], gsem[b])

    def wait_bytes(sem, b):
        pltpu.make_async_copy(
            table_hbm.at[pl.ds(0, b_per_w)], bufs[b], sem).wait()

    for b in range(_NBUF):
        fire_gather(b, b)

    n_groups = NS_ // _NBUF

    def group_body(g, _):
        o = g * _NBUF
        for b in range(_NBUF):
            wait_bytes(gsem[b], b)
            pltpu.async_copy(
                bufs[b], out_hbm.at[pl.ds(base_b, b_per_w), o + b], wsem[b])
        for b in range(_NBUF):
            wait_bytes(wsem[b], b)

            @pl.when(g < n_groups - 1)
            def _():
                fire_gather(o + _NBUF + b, b)

        return 0

    lax.fori_loop(0, n_groups, group_body, 0)


def kernel(data, indices, axis=0):
    V, D = data.shape
    NB, NS_ = indices.shape
    idxT = indices.T.astype(jnp.int32)

    b_per_w = NB // _NW
    assert NB % _NW == 0 and NS_ % _NBUF == 0 and b_per_w % _L == 0

    mesh = plsc.VectorSubcoreMesh(core_axis_name="c", subcore_axis_name="s")
    k = functools.partial(
        pl.kernel,
        mesh=mesh,
        compiler_params=pltpu.CompilerParams(use_tc_tiling_on_sc=False),
        out_type=jax.ShapeDtypeStruct((NB, NS_, D), jnp.float32),
        scratch_types=[
            pltpu.VMEM((NS_, b_per_w), jnp.int32),
        ] + [pltpu.VMEM((b_per_w, D), jnp.float32) for _ in range(_NBUF)]
          + [pltpu.SemaphoreType.DMA for _ in range(2 * _NBUF)],
    )(functools.partial(_gather_kernel_body, V, NB, NS_, D))
    return k(data, idxT)

# --- scband reference (transcript-rebuilt; emitter-appended) ---
"""Pipeline reference for scband-custom-gather-8890582303348 (READ-ONLY COPY).

The authoritative reference and input builder live on the scoring server;
editing this copy changes nothing except your own understanding.
"""

import jax, jax.numpy as jnp
import numpy as np


def setup_inputs(seed: int = 0) -> dict:
    key = jax.random.key(seed)
    k1, k2 = jax.random.split(key)
    data = jax.random.normal(k1, (1000000, 32), dtype=jnp.float32)
    indices = jax.random.randint(k2, (16384, 50), 0, 1000000, dtype=jnp.int64)
    return {"data": data, "indices": indices, "axis": 0}


def reference(data, indices, axis=0):
    # Faithful translation of ONNX Gather custom module.
    static_axis = 0
    target_shape = tuple(data.shape[:static_axis]) + tuple(indices.shape) + tuple(data.shape[static_axis + 1:])
    # Normalize negative indices exactly as the torch module does.
    indices = (indices < 0).astype(indices.dtype) * data.shape[static_axis] + indices
    indices = indices + jnp.asarray(axis).astype(indices.dtype) * 0
    out = jnp.take(data, indices.reshape(-1), axis=static_axis)
    return out.reshape(target_shape)

if __name__ == "__main__":
    import jax
    _d = setup_inputs()
    print(jax.jit(kernel)(*tuple(_d.values())))

</pallas_src>

<mosaic_0001>
#map = affine_map<(d0, d1) -> (0, 0)>
#map1 = affine_map<(d0, d1) -> (0, 0, 0)>
module attributes {stable_mosaic.version = 14 : i64} {
  func.func @_gather_kernel_body(%arg0: i32, %arg1: i32, %arg2: memref<1000000x32xf32, #tpu.memory_space<hbm>>, %arg3: memref<50x16384xi32, #tpu.memory_space<hbm>>, %arg4: memref<16384x50x32xf32, #tpu.memory_space<hbm>>, %arg5: memref<50x512xi32, #tpu.memory_space<vmem>>, %arg6: memref<512x32xf32, #tpu.memory_space<vmem>>, %arg7: memref<512x32xf32, #tpu.memory_space<vmem>>, %arg8: memref<512x32xf32, #tpu.memory_space<vmem>>, %arg9: memref<512x32xf32, #tpu.memory_space<vmem>>, %arg10: memref<512x32xf32, #tpu.memory_space<vmem>>, %arg11: memref<!tpu.dma_semaphore, #tpu.memory_space<semaphore_mem>>, %arg12: memref<!tpu.dma_semaphore, #tpu.memory_space<semaphore_mem>>, %arg13: memref<!tpu.dma_semaphore, #tpu.memory_space<semaphore_mem>>, %arg14: memref<!tpu.dma_semaphore, #tpu.memory_space<semaphore_mem>>, %arg15: memref<!tpu.dma_semaphore, #tpu.memory_space<semaphore_mem>>, %arg16: memref<!tpu.dma_semaphore, #tpu.memory_space<semaphore_mem>>, %arg17: memref<!tpu.dma_semaphore, #tpu.memory_space<semaphore_mem>>, %arg18: memref<!tpu.dma_semaphore, #tpu.memory_space<semaphore_mem>>, %arg19: memref<!tpu.dma_semaphore, #tpu.memory_space<semaphore_mem>>, %arg20: memref<!tpu.dma_semaphore, #tpu.memory_space<semaphore_mem>>) attributes {dimension_semantics = [#tpu.dimension_semantics<core_parallel>, #tpu.dimension_semantics<subcore_parallel>], iteration_bounds = array<i64: 2, 16>, scalar_prefetch = 0 : i64, scratch_operands = 16 : i64, tpu.core_type = #tpu.core_type<sc_vector_subcore>, window_params = [{transform_indices = #map}, {transform_indices = #map}, {transform_indices = #map1}]} {
    %mul3A = arith.constant 2 : i32
    %mul3A_0 = arith.muli %arg1, %mul3A : i32
    %add3A = arith.addi %mul3A_0, %arg0 : i32
    %mul3A_1 = arith.constant 512 : i32
    %mul3A_2 = arith.muli %add3A, %mul3A_1 : i32
    "tpu.region"() ({
      %run_scoped3A = tpu.sem_alloc : memref<!tpu.dma_semaphore, #tpu.memory_space<semaphore_mem>>
      %dma_start3A_50 = arith.constant 0 : i32
      %dma_start3A_51 = tpu.memref_slice %arg3[%dma_start3A_50, %mul3A_2] : memref<50x16384xi32, #tpu.memory_space<hbm>> -> memref<50x512xi32, #tpu.memory_space<hbm>>
      %dma_start3A_52 = arith.constant 0 : i32
      %dma_start3A_53 = tpu.memref_slice %arg3[%dma_start3A_52, %mul3A_2] : memref<50x16384xi32, #tpu.memory_space<hbm>> -> memref<50x512xi32, #tpu.memory_space<hbm>>
      tpu.enqueue_dma source(%dma_start3A_53 : memref<50x512xi32, #tpu.memory_space<hbm>>) target(%arg5 : memref<50x512xi32, #tpu.memory_space<vmem>>) target_semaphore(%run_scoped3A : memref<!tpu.dma_semaphore, #tpu.memory_space<semaphore_mem>>)
      %dma_wait3A = arith.constant 0 : i32
      %dma_wait3A_54 = tpu.memref_slice %arg3[%dma_wait3A, %mul3A_2] : memref<50x16384xi32, #tpu.memory_space<hbm>> -> memref<50x512xi32, #tpu.memory_space<hbm>>
      %dma_wait3A_55 = arith.constant 0 : i32
      %dma_wait3A_56 = tpu.memref_slice %arg3[%dma_wait3A_55, %mul3A_2] : memref<50x16384xi32, #tpu.memory_space<hbm>> -> memref<50x512xi32, #tpu.memory_space<hbm>>
      tpu.wait_dma2 semaphore(%run_scoped3A : memref<!tpu.dma_semaphore, #tpu.memory_space<semaphore_mem>>) src(%dma_wait3A_56 : memref<50x512xi32, #tpu.memory_space<hbm>>) dst(%arg5 : memref<50x512xi32, #tpu.memory_space<vmem>>)
      tpu.yield
    }) : () -> ()
    %scan3A = arith.constant 0 : i32
    %scan3A_3 = arith.constant 0 : i32
    %scan3A_4 = arith.constant 1600 : i32
    %scan3A_5 = arith.addi %scan3A_3, %scan3A_4 : i32
    %scan3A_6 = arith.constant 1 : i32
    %scan3A_7 = scf.for %scan3A_50 = %scan3A_3 to %scan3A_5 step %scan3A_6 iter_args(%scan3A_51 = %scan3A) -> (i32)  : i32 {
      %jit3A = arith.constant 32 : i32
      %div3A = arith.divsi %scan3A_50, %jit3A : i32
      %sign3A = arith.constant 0 : i32
      %sign3A_52 = arith.cmpi sgt, %scan3A_50, %sign3A : i32
      %sign3A_53 = arith.extui %sign3A_52 : i1 to i32
      %sign3A_54 = arith.constant 0 : i32
      %sign3A_55 = arith.cmpi slt, %scan3A_50, %sign3A_54 : i32
      %sign3A_56 = arith.extui %sign3A_55 : i1 to i32
      %sign3A_57 = arith.subi %sign3A_53, %sign3A_56 : i32
      %sign3A_58 = arith.constant 0 : i32
      %sign3A_59 = arith.cmpi sgt, %jit3A, %sign3A_58 : i32
      %sign3A_60 = arith.extui %sign3A_59 : i1 to i32
      %sign3A_61 = arith.constant 0 : i32
      %sign3A_62 = arith.cmpi slt, %jit3A, %sign3A_61 : i32
      %sign3A_63 = arith.extui %sign3A_62 : i1 to i32
      %sign3A_64 = arith.subi %sign3A_60, %sign3A_63 : i32
      %ne3A = arith.cmpi ne, %sign3A_57, %sign3A_64 : i32
      %rem3A = arith.remsi %scan3A_50, %jit3A : i32
      %ne3A_65 = arith.constant 0 : i32
      %ne3A_66 = arith.cmpi ne, %rem3A, %ne3A_65 : i32
      %and3A = arith.andi %ne3A, %ne3A_66 : i1
      %sub3A = arith.constant 1 : i32
      %sub3A_67 = arith.subi %div3A, %sub3A : i32
      %select_n3A = arith.select %and3A, %sub3A_67, %div3A : i32
      %jit3A_68 = arith.constant 32 : i32
      %eq3A = arith.constant 0 : i32
      %eq3A_69 = arith.cmpi eq, %jit3A_68, %eq3A : i32
      %jit3A_70 = arith.constant 1 : i32
      %select_n3A_71 = arith.select %eq3A_69, %jit3A_70, %jit3A_68 : i32
      %rem3A_72 = arith.remsi %scan3A_50, %select_n3A_71 : i32
      %ne3A_73 = arith.constant 0 : i32
      %ne3A_74 = arith.cmpi ne, %rem3A_72, %ne3A_73 : i32
      %lt3A = arith.constant 0 : i32
      %lt3A_75 = arith.cmpi slt, %rem3A_72, %lt3A : i32
      %lt3A_76 = arith.constant 0 : i32
      %lt3A_77 = arith.cmpi slt, %select_n3A_71, %lt3A_76 : i32
      %ne3A_78 = arith.xori %lt3A_75, %lt3A_77 : i1
      %and3A_79 = arith.andi %ne3A_78, %ne3A_74 : i1
      %add3A_80 = arith.addi %rem3A_72, %select_n3A_71 : i32
      %select_n3A_81 = arith.select %and3A_79, %add3A_80, %rem3A_72 : i32
      %mul3A_82 = arith.constant 16 : i32
      %mul3A_83 = arith.muli %select_n3A_81, %mul3A_82 : i32
      %get3A = arith.index_cast %select_n3A : i32 to index
      %get3A_84 = arith.index_cast %mul3A_83 : i32 to index
      %get3A_85 = tpu.vector_load %arg5[%get3A, %get3A_84] {strides = array<i32>} : memref<50x512xi32, #tpu.memory_space<vmem>>, vector<1x16xi32>,
      %get3A_86 = vector.shape_cast %get3A_85 : vector<1x16xi32> to vector<16xi32>
      %lt3A_87 = arith.constant 0 : i32
      %lt3A_88 = vector.broadcast %lt3A_87 : i32 to vector<16xi32>
      %lt3A_89 = arith.cmpi slt, %get3A_86, %lt3A_88 : vector<16xi32>
      %add3A_90 = arith.constant 1000000 : i32
      %add3A_91 = vector.broadcast %add3A_90 : i32 to vector<16xi32>
      %add3A_92 = arith.addi %get3A_86, %add3A_91 : vector<16xi32>
      %select_n3A_93 = arith.select %lt3A_89, %add3A_92, %get3A_86 : vector<16xi1>, vector<16xi32>
      %mul3A_94 = arith.constant 16 : i32
      %mul3A_95 = arith.muli %select_n3A_81, %mul3A_94 : i32
      %swap3A = arith.index_cast %select_n3A : i32 to index
      %swap3A_96 = arith.index_cast %mul3A_95 : i32 to index
      %swap3A_97 = tpu.vector_load %arg5[%swap3A, %swap3A_96] {strides = array<i32>} : memref<50x512xi32, #tpu.memory_space<vmem>>, vector<1x16xi32>,
      %swap3A_98 = vector.shape_cast %swap3A_97 : vector<1x16xi32> to vector<16xi32>
      %swap3A_99 = vector.shape_cast %select_n3A_93 : vector<16xi32> to vector<1x16xi32>
      tpu.vector_store %arg5[%swap3A, %swap3A_96], %swap3A_99 {strides = array<i32>} : memref<50x512xi32, #tpu.memory_space<vmem>>, vector<1x16xi32>,
      %scan3A_100 = arith.constant 0 : i32
      scf.yield %scan3A_100 : i32
    }
    %scan3A_8 = arith.constant 1600 : i32
    %dma_start3A = arith.constant 0 : i32
    %dma_start3A_9 = arith.constant 0 : i32
    %dma_start3A_10 = tpu.memref_slice %arg5[%dma_start3A, %dma_start3A_9] : memref<50x512xi32, #tpu.memory_space<vmem>> -> memref<1x512xi32, #tpu.memory_space<vmem>>
    %dma_start3A_11 = tpu.memref_squeeze %dma_start3A_10 : memref<1x512xi32, #tpu.memory_space<vmem>> -> memref<512xi32, #tpu.memory_space<vmem>>
    %dma_start3A_12 = arith.constant 0 : i32
    %dma_start3A_13 = arith.constant 0 : i32
    %dma_start3A_14 = tpu.memref_slice %arg2[%dma_start3A_12, %dma_start3A_13] : memref<1000000x32xf32, #tpu.memory_space<hbm>> -> memref<1000000x32xf32, #tpu.memory_space<hbm>>
    tpu.enqueue_indirect_dma source(%dma_start3A_14 : memref<1000000x32xf32, #tpu.memory_space<hbm>>) target(%arg6 : memref<512x32xf32, #tpu.memory_space<vmem>>) offsets(%dma_start3A_11 : memref<512xi32, #tpu.memory_space<vmem>>) semaphore(%arg11 : memref<!tpu.dma_semaphore, #tpu.memory_space<semaphore_mem>>)
    %dma_start3A_15 = arith.constant 1 : i32
    %dma_start3A_16 = arith.constant 0 : i32
    %dma_start3A_17 = tpu.memref_slice %arg5[%dma_start3A_15, %dma_start3A_16] : memref<50x512xi32, #tpu.memory_space<vmem>> -> memref<1x512xi32, #tpu.memory_space<vmem>>
    %dma_start3A_18 = tpu.memref_squeeze %dma_start3A_17 : memref<1x512xi32, #tpu.memory_space<vmem>> -> memref<512xi32, #tpu.memory_space<vmem>>
    %dma_start3A_19 = arith.constant 0 : i32
    %dma_start3A_20 = arith.constant 0 : i32
    %dma_start3A_21 = tpu.memref_slice %arg2[%dma_start3A_19, %dma_start3A_20] : memref<1000000x32xf32, #tpu.memory_space<hbm>> -> memref<1000000x32xf32, #tpu.memory_space<hbm>>
    tpu.enqueue_indirect_dma source(%dma_start3A_21 : memref<1000000x32xf32, #tpu.memory_space<hbm>>) target(%arg7 : memref<512x32xf32, #tpu.memory_space<vmem>>) offsets(%dma_start3A_18 : memref<512xi32, #tpu.memory_space<vmem>>) semaphore(%arg12 : memref<!tpu.dma_semaphore, #tpu.memory_space<semaphore_mem>>)
    %dma_start3A_22 = arith.constant 2 : i32
    %dma_start3A_23 = arith.constant 0 : i32
    %dma_start3A_24 = tpu.memref_slice %arg5[%dma_start3A_22, %dma_start3A_23] : memref<50x512xi32, #tpu.memory_space<vmem>> -> memref<1x512xi32, #tpu.memory_space<vmem>>
    %dma_start3A_25 = tpu.memref_squeeze %dma_start3A_24 : memref<1x512xi32, #tpu.memory_space<vmem>> -> memref<512xi32, #tpu.memory_space<vmem>>
    %dma_start3A_26 = arith.constant 0 : i32
    %dma_start3A_27 = arith.constant 0 : i32
    %dma_start3A_28 = tpu.memref_slice %arg2[%dma_start3A_26, %dma_start3A_27] : memref<1000000x32xf32, #tpu.memory_space<hbm>> -> memref<1000000x32xf32, #tpu.memory_space<hbm>>
    tpu.enqueue_indirect_dma source(%dma_start3A_28 : memref<1000000x32xf32, #tpu.memory_space<hbm>>) target(%arg8 : memref<512x32xf32, #tpu.memory_space<vmem>>) offsets(%dma_start3A_25 : memref<512xi32, #tpu.memory_space<vmem>>) semaphore(%arg13 : memref<!tpu.dma_semaphore, #tpu.memory_space<semaphore_mem>>)
    %dma_start3A_29 = arith.constant 3 : i32
    %dma_start3A_30 = arith.constant 0 : i32
    %dma_start3A_31 = tpu.memref_slice %arg5[%dma_start3A_29, %dma_start3A_30] : memref<50x512xi32, #tpu.memory_space<vmem>> -> memref<1x512xi32, #tpu.memory_space<vmem>>
    %dma_start3A_32 = tpu.memref_squeeze %dma_start3A_31 : memref<1x512xi32, #tpu.memory_space<vmem>> -> memref<512xi32, #tpu.memory_space<vmem>>
    %dma_start3A_33 = arith.constant 0 : i32
    %dma_start3A_34 = arith.constant 0 : i32
    %dma_start3A_35 = tpu.memref_slice %arg2[%dma_start3A_33, %dma_start3A_34] : memref<1000000x32xf32, #tpu.memory_space<hbm>> -> memref<1000000x32xf32, #tpu.memory_space<hbm>>
    tpu.enqueue_indirect_dma source(%dma_start3A_35 : memref<1000000x32xf32, #tpu.memory_space<hbm>>) target(%arg9 : memref<512x32xf32, #tpu.memory_space<vmem>>) offsets(%dma_start3A_32 : memref<512xi32, #tpu.memory_space<vmem>>) semaphore(%arg14 : memref<!tpu.dma_semaphore, #tpu.memory_space<semaphore_mem>>)
    %dma_start3A_36 = arith.constant 4 : i32
    %dma_start3A_37 = arith.constant 0 : i32
    %dma_start3A_38 = tpu.memref_slice %arg5[%dma_start3A_36, %dma_start3A_37] : memref<50x512xi32, #tpu.memory_space<vmem>> -> memref<1x512xi32, #tpu.memory_space<vmem>>
    %dma_start3A_39 = tpu.memref_squeeze %dma_start3A_38 : memref<1x512xi32, #tpu.memory_space<vmem>> -> memref<512xi32, #tpu.memory_space<vmem>>
    %dma_start3A_40 = arith.constant 0 : i32
    %dma_start3A_41 = arith.constant 0 : i32
    %dma_start3A_42 = tpu.memref_slice %arg2[%dma_start3A_40, %dma_start3A_41] : memref<1000000x32xf32, #tpu.memory_space<hbm>> -> memref<1000000x32xf32, #tpu.memory_space<hbm>>
    tpu.enqueue_indirect_dma source(%dma_start3A_42 : memref<1000000x32xf32, #tpu.memory_space<hbm>>) target(%arg10 : memref<512x32xf32, #tpu.memory_space<vmem>>) offsets(%dma_start3A_39 : memref<512xi32, #tpu.memory_space<vmem>>) semaphore(%arg15 : memref<!tpu.dma_semaphore, #tpu.memory_space<semaphore_mem>>)
    %scan3A_43 = arith.constant 0 : i32
    %scan3A_44 = arith.constant 0 : i32
    %scan3A_45 = arith.constant 10 : i32
    %scan3A_46 = arith.addi %scan3A_44, %scan3A_45 : i32
    %scan3A_47 = arith.constant 1 : i32
    %scan3A_48 = scf.for %scan3A_50 = %scan3A_44 to %scan3A_46 step %scan3A_47 iter_args(%scan3A_51 = %scan3A_43) -> (i32)  : i32 {
      %mul3A_52 = arith.constant 5 : i32
      %mul3A_53 = arith.muli %scan3A_50, %mul3A_52 : i32
      %dma_wait3A = arith.constant 0 : i32
      %dma_wait3A_54 = arith.constant 0 : i32
      %dma_wait3A_55 = tpu.memref_slice %arg2[%dma_wait3A, %dma_wait3A_54] : memref<1000000x32xf32, #tpu.memory_space<hbm>> -> memref<512x32xf32, #tpu.memory_space<hbm>>
      %dma_wait3A_56 = arith.constant 0 : i32
      %dma_wait3A_57 = arith.constant 0 : i32
      %dma_wait3A_58 = tpu.memref_slice %arg2[%dma_wait3A_56, %dma_wait3A_57] : memref<1000000x32xf32, #tpu.memory_space<hbm>> -> memref<512x32xf32, #tpu.memory_space<hbm>>
      tpu.wait_dma2 semaphore(%arg11 : memref<!tpu.dma_semaphore, #tpu.memory_space<semaphore_mem>>) src(%dma_wait3A_58 : memref<512x32xf32, #tpu.memory_space<hbm>>) dst(%arg6 : memref<512x32xf32, #tpu.memory_space<vmem>>)
      %add3A_59 = arith.constant 0 : i32
      %add3A_60 = arith.addi %mul3A_53, %add3A_59 : i32
      %dma_start3A_61 = arith.constant 0 : i32
      %dma_start3A_62 = tpu.memref_slice %arg4[%mul3A_2, %add3A_60, %dma_start3A_61] : memref<16384x50x32xf32, #tpu.memory_space<hbm>> -> memref<512x1x32xf32, #tpu.memory_space<hbm>>
      %dma_start3A_63 = tpu.memref_squeeze %dma_start3A_62 : memref<512x1x32xf32, #tpu.memory_space<hbm>> -> memref<512x32xf32, #tpu.memory_space<hbm>>
      %dma_start3A_64 = arith.constant 0 : i32
      %dma_start3A_65 = tpu.memref_slice %arg4[%mul3A_2, %add3A_60, %dma_start3A_64] : memref<16384x50x32xf32, #tpu.memory_space<hbm>> -> memref<512x1x32xf32, #tpu.memory_space<hbm>>
      %dma_start3A_66 = tpu.memref_squeeze %dma_start3A_65 : memref<512x1x32xf32, #tpu.memory_space<hbm>> -> memref<512x32xf32, #tpu.memory_space<hbm>>
      tpu.enqueue_dma source(%arg6 : memref<512x32xf32, #tpu.memory_space<vmem>>) target(%dma_start3A_66 : memref<512x32xf32, #tpu.memory_space<hbm>>) target_semaphore(%arg16 : memref<!tpu.dma_semaphore, #tpu.memory_space<semaphore_mem>>)
      %dma_wait3A_67 = arith.constant 0 : i32
      %dma_wait3A_68 = arith.constant 0 : i32
      %dma_wait3A_69 = tpu.memref_slice %arg2[%dma_wait3A_67, %dma_wait3A_68] : memref<1000000x32xf32, #tpu.memory_space<hbm>> -> memref<512x32xf32, #tpu.memory_space<hbm>>
      %dma_wait3A_70 = arith.constant 0 : i32
      %dma_wait3A_71 = arith.constant 0 : i32
      %dma_wait3A_72 = tpu.memref_slice %arg2[%dma_wait3A_70, %dma_wait3A_71] : memref<1000000x32xf32, #tpu.memory_space<hbm>> -> memref<512x32xf32, #tpu.memory_space<hbm>>
      tpu.wait_dma2 semaphore(%arg12 : memref<!tpu.dma_semaphore, #tpu.memory_space<semaphore_mem>>) src(%dma_wait3A_72 : memref<512x32xf32, #tpu.memory_space<hbm>>) dst(%arg7 : memref<512x32xf32, #tpu.memory_space<vmem>>)
      %add3A_73 = arith.constant 1 : i32
      %add3A_74 = arith.addi %mul3A_53, %add3A_73 : i32
      %dma_start3A_75 = arith.constant 0 : i32
      %dma_start3A_76 = tpu.memref_slice %arg4[%mul3A_2, %add3A_74, %dma_start3A_75] : memref<16384x50x32xf32, #tpu.memory_space<hbm>> -> memref<512x1x32xf32, #tpu.memory_space<hbm>>
      %dma_start3A_77 = tpu.memref_squeeze %dma_start3A_76 : memref<512x1x32xf32, #tpu.memory_space<hbm>> -> memref<512x32xf32, #tpu.memory_space<hbm>>
      %dma_start3A_78 = arith.constant 0 : i32
      %dma_start3A_79 = tpu.memref_slice %arg4[%mul3A_2, %add3A_74, %dma_start3A_78] : memref<16384x50x32xf32, #tpu.memory_space<hbm>> -> memref<512x1x32xf32, #tpu.memory_space<hbm>>
      %dma_start3A_80 = tpu.memref_squeeze %dma_start3A_79 : memref<512x1x32xf32, #tpu.memory_space<hbm>> -> memref<512x32xf32, #tpu.memory_space<hbm>>
      tpu.enqueue_dma source(%arg7 : memref<512x32xf32, #tpu.memory_space<vmem>>) target(%dma_start3A_80 : memref<512x32xf32, #tpu.memory_space<hbm>>) target_semaphore(%arg17 : memref<!tpu.dma_semaphore, #tpu.memory_space<semaphore_mem>>)
      %dma_wait3A_81 = arith.constant 0 : i32
      %dma_wait3A_82 = arith.constant 0 : i32
      %dma_wait3A_83 = tpu.memref_slice %arg2[%dma_wait3A_81, %dma_wait3A_82] : memref<1000000x32xf32, #tpu.memory_space<hbm>> -> memref<512x32xf32, #tpu.memory_space<hbm>>
      %dma_wait3A_84 = arith.constant 0 : i32
      %dma_wait3A_85 = arith.constant 0 : i32
      %dma_wait3A_86 = tpu.memref_slice %arg2[%dma_wait3A_84, %dma_wait3A_85] : memref<1000000x32xf32, #tpu.memory_space<hbm>> -> memref<512x32xf32, #tpu.memory_space<hbm>>
      tpu.wait_dma2 semaphore(%arg13 : memref<!tpu.dma_semaphore, #tpu.memory_space<semaphore_mem>>) src(%dma_wait3A_86 : memref<512x32xf32, #tpu.memory_space<hbm>>) dst(%arg8 : memref<512x32xf32, #tpu.memory_space<vmem>>)
      %add3A_87 = arith.constant 2 : i32
      %add3A_88 = arith.addi %mul3A_53, %add3A_87 : i32
      %dma_start3A_89 = arith.constant 0 : i32
      %dma_start3A_90 = tpu.memref_slice %arg4[%mul3A_2, %add3A_88, %dma_start3A_89] : memref<16384x50x32xf32, #tpu.memory_space<hbm>> -> memref<512x1x32xf32, #tpu.memory_space<hbm>>
      %dma_start3A_91 = tpu.memref_squeeze %dma_start3A_90 : memref<512x1x32xf32, #tpu.memory_space<hbm>> -> memref<512x32xf32, #tpu.memory_space<hbm>>
      %dma_start3A_92 = arith.constant 0 : i32
      %dma_start3A_93 = tpu.memref_slice %arg4[%mul3A_2, %add3A_88, %dma_start3A_92] : memref<16384x50x32xf32, #tpu.memory_space<hbm>> -> memref<512x1x32xf32, #tpu.memory_space<hbm>>
      %dma_start3A_94 = tpu.memref_squeeze %dma_start3A_93 : memref<512x1x32xf32, #tpu.memory_space<hbm>> -> memref<512x32xf32, #tpu.memory_space<hbm>>
      tpu.enqueue_dma source(%arg8 : memref<512x32xf32, #tpu.memory_space<vmem>>) target(%dma_start3A_94 : memref<512x32xf32, #tpu.memory_space<hbm>>) target_semaphore(%arg18 : memref<!tpu.dma_semaphore, #tpu.memory_space<semaphore_mem>>)
      %dma_wait3A_95 = arith.constant 0 : i32
      %dma_wait3A_96 = arith.constant 0 : i32
      %dma_wait3A_97 = tpu.memref_slice %arg2[%dma_wait3A_95, %dma_wait3A_96] : memref<1000000x32xf32, #tpu.memory_space<hbm>> -> memref<512x32xf32, #tpu.memory_space<hbm>>
      %dma_wait3A_98 = arith.constant 0 : i32
      %dma_wait3A_99 = arith.constant 0 : i32
      %dma_wait3A_100 = tpu.memref_slice %arg2[%dma_wait3A_98, %dma_wait3A_99] : memref<1000000x32xf32, #tpu.memory_space<hbm>> -> memref<512x32xf32, #tpu.memory_space<hbm>>
      tpu.wait_dma2 semaphore(%arg14 : memref<!tpu.dma_semaphore, #tpu.memory_space<semaphore_mem>>) src(%dma_wait3A_100 : memref<512x32xf32, #tpu.memory_space<hbm>>) dst(%arg9 : memref<512x32xf32, #tpu.memory_space<vmem>>)
      %add3A_101 = arith.constant 3 : i32
      %add3A_102 = arith.addi %mul3A_53, %add3A_101 : i32
      %dma_start3A_103 = arith.constant 0 : i32
      %dma_start3A_104 = tpu.memref_slice %arg4[%mul3A_2, %add3A_102, %dma_start3A_103] : memref<16384x50x32xf32, #tpu.memory_space<hbm>> -> memref<512x1x32xf32, #tpu.memory_space<hbm>>
      %dma_start3A_105 = tpu.memref_squeeze %dma_start3A_104 : memref<512x1x32xf32, #tpu.memory_space<hbm>> -> memref<512x32xf32, #tpu.memory_space<hbm>>
      %dma_start3A_106 = arith.constant 0 : i32
      %dma_start3A_107 = tpu.memref_slice %arg4[%mul3A_2, %add3A_102, %dma_start3A_106] : memref<16384x50x32xf32, #tpu.memory_space<hbm>> -> memref<512x1x32xf32, #tpu.memory_space<hbm>>
      %dma_start3A_108 = tpu.memref_squeeze %dma_start3A_107 : memref<512x1x32xf32, #tpu.memory_space<hbm>> -> memref<512x32xf32, #tpu.memory_space<hbm>>
      tpu.enqueue_dma source(%arg9 : memref<512x32xf32, #tpu.memory_space<vmem>>) target(%dma_start3A_108 : memref<512x32xf32, #tpu.memory_space<hbm>>) target_semaphore(%arg19 : memref<!tpu.dma_semaphore, #tpu.memory_space<semaphore_mem>>)
      %dma_wait3A_109 = arith.constant 0 : i32
      %dma_wait3A_110 = arith.constant 0 : i32
      %dma_wait3A_111 = tpu.memref_slice %arg2[%dma_wait3A_109, %dma_wait3A_110] : memref<1000000x32xf32, #tpu.memory_space<hbm>> -> memref<512x32xf32, #tpu.memory_space<hbm>>
      %dma_wait3A_112 = arith.constant 0 : i32
      %dma_wait3A_113 = arith.constant 0 : i32
      %dma_wait3A_114 = tpu.memref_slice %arg2[%dma_wait3A_112, %dma_wait3A_113] : memref<1000000x32xf32, #tpu.memory_space<hbm>> -> memref<512x32xf32, #tpu.memory_space<hbm>>
      tpu.wait_dma2 semaphore(%arg15 : memref<!tpu.dma_semaphore, #tpu.memory_space<semaphore_mem>>) src(%dma_wait3A_114 : memref<512x32xf32, #tpu.memory_space<hbm>>) dst(%arg10 : memref<512x32xf32, #tpu.memory_space<vmem>>)
      %add3A_115 = arith.constant 4 : i32
      %add3A_116 = arith.addi %mul3A_53, %add3A_115 : i32
      %dma_start3A_117 = arith.constant 0 : i32
      %dma_start3A_118 = tpu.memref_slice %arg4[%mul3A_2, %add3A_116, %dma_start3A_117] : memref<16384x50x32xf32, #tpu.memory_space<hbm>> -> memref<512x1x32xf32, #tpu.memory_space<hbm>>
      %dma_start3A_119 = tpu.memref_squeeze %dma_start3A_118 : memref<512x1x32xf32, #tpu.memory_space<hbm>> -> memref<512x32xf32, #tpu.memory_space<hbm>>
      %dma_start3A_120 = arith.constant 0 : i32
      %dma_start3A_121 = tpu.memref_slice %arg4[%mul3A_2, %add3A_116, %dma_start3A_120] : memref<16384x50x32xf32, #tpu.memory_space<hbm>> -> memref<512x1x32xf32, #tpu.memory_space<hbm>>
      %dma_start3A_122 = tpu.memref_squeeze %dma_start3A_121 : memref<512x1x32xf32, #tpu.memory_space<hbm>> -> memref<512x32xf32, #tpu.memory_space<hbm>>
      tpu.enqueue_dma source(%arg10 : memref<512x32xf32, #tpu.memory_space<vmem>>) target(%dma_start3A_122 : memref<512x32xf32, #tpu.memory_space<hbm>>) target_semaphore(%arg20 : memref<!tpu.dma_semaphore, #tpu.memory_space<semaphore_mem>>)
      %dma_wait3A_123 = arith.constant 0 : i32
      %dma_wait3A_124 = arith.constant 0 : i32
      %dma_wait3A_125 = tpu.memref_slice %arg2[%dma_wait3A_123, %dma_wait3A_124] : memref<1000000x32xf32, #tpu.memory_space<hbm>> -> memref<512x32xf32, #tpu.memory_space<hbm>>
      %dma_wait3A_126 = arith.constant 0 : i32
      %dma_wait3A_127 = arith.constant 0 : i32
      %dma_wait3A_128 = tpu.memref_slice %arg2[%dma_wait3A_126, %dma_wait3A_127] : memref<1000000x32xf32, #tpu.memory_space<hbm>> -> memref<512x32xf32, #tpu.memory_space<hbm>>
      tpu.wait_dma2 semaphore(%arg16 : memref<!tpu.dma_semaphore, #tpu.memory_space<semaphore_mem>>) src(%dma_wait3A_128 : memref<512x32xf32, #tpu.memory_space<hbm>>) dst(%arg6 : memref<512x32xf32, #tpu.memory_space<vmem>>)
      %lt3A = arith.constant 9 : i32
      %lt3A_129 = arith.cmpi slt, %scan3A_50, %lt3A : i32
      %convert_element_type3A = arith.extui %lt3A_129 : i1 to i32
      %cond3A = arith.constant 0 : i32
      %cond3A_130 = arith.cmpi ne, %convert_element_type3A, %cond3A : i32
      scf.if %cond3A_130 {
        %add3A_176 = arith.constant 5 : i32
        %add3A_177 = arith.addi %mul3A_53, %add3A_176 : i32
        %add3A_178 = arith.constant 0 : i32
        %add3A_179 = arith.addi %add3A_177, %add3A_178 : i32
        %dma_start3A_180 = arith.constant 0 : i32
        %dma_start3A_181 = tpu.memref_slice %arg5[%add3A_179, %dma_start3A_180] : memref<50x512xi32, #tpu.memory_space<vmem>> -> memref<1x512xi32, #tpu.memory_space<vmem>>
        %dma_start3A_182 = tpu.memref_squeeze %dma_start3A_181 : memref<1x512xi32, #tpu.memory_space<vmem>> -> memref<512xi32, #tpu.memory_space<vmem>>
        %dma_start3A_183 = arith.constant 0 : i32
        %dma_start3A_184 = arith.constant 0 : i32
        %dma_start3A_185 = tpu.memref_slice %arg2[%dma_start3A_183, %dma_start3A_184] : memref<1000000x32xf32, #tpu.memory_space<hbm>> -> memref<1000000x32xf32, #tpu.memory_space<hbm>>
        tpu.enqueue_indirect_dma source(%dma_start3A_185 : memref<1000000x32xf32, #tpu.memory_space<hbm>>) target(%arg6 : memref<512x32xf32, #tpu.memory_space<vmem>>) offsets(%dma_start3A_182 : memref<512xi32, #tpu.memory_space<vmem>>) semaphore(%arg11 : memref<!tpu.dma_semaphore, #tpu.memory_space<semaphore_mem>>)
      } else {
      }
      %dma_wait3A_131 = arith.constant 0 : i32
      %dma_wait3A_132 = arith.constant 0 : i32
      %dma_wait3A_133 = tpu.memref_slice %arg2[%dma_wait3A_131, %dma_wait3A_132] : memref<1000000x32xf32, #tpu.memory_space<hbm>> -> memref<512x32xf32, #tpu.memory_space<hbm>>
      %dma_wait3A_134 = arith.constant 0 : i32
      %dma_wait3A_135 = arith.constant 0 : i32
      %dma_wait3A_136 = tpu.memref_slice %arg2[%dma_wait3A_134, %dma_wait3A_135] : memref<1000000x32xf32, #tpu.memory_space<hbm>> -> memref<512x32xf32, #tpu.memory_space<hbm>>
      tpu.wait_dma2 semaphore(%arg17 : memref<!tpu.dma_semaphore, #tpu.memory_space<semaphore_mem>>) src(%dma_wait3A_136 : memref<512x32xf32, #tpu.memory_space<hbm>>) dst(%arg7 : memref<512x32xf32, #tpu.memory_space<vmem>>)
      %lt3A_137 = arith.constant 9 : i32
      %lt3A_138 = arith.cmpi slt, %scan3A_50, %lt3A_137 : i32
      %convert_element_type3A_139 = arith.extui %lt3A_138 : i1 to i32
      %cond3A_140 = arith.constant 0 : i32
      %cond3A_141 = arith.cmpi ne, %convert_element_type3A_139, %cond3A_140 : i32
      scf.if %cond3A_141 {
        %add3A_176 = arith.constant 5 : i32
        %add3A_177 = arith.addi %mul3A_53, %add3A_176 : i32
        %add3A_178 = arith.constant 1 : i32
        %add3A_179 = arith.addi %add3A_177, %add3A_178 : i32
        %dma_start3A_180 = arith.constant 0 : i32
        %dma_start3A_181 = tpu.memref_slice %arg5[%add3A_179, %dma_start3A_180] : memref<50x512xi32, #tpu.memory_space<vmem>> -> memref<1x512xi32, #tpu.memory_space<vmem>>
        %dma_start3A_182 = tpu.memref_squeeze %dma_start3A_181 : memref<1x512xi32, #tpu.memory_space<vmem>> -> memref<512xi32, #tpu.memory_space<vmem>>
        %dma_start3A_183 = arith.constant 0 : i32
        %dma_start3A_184 = arith.constant 0 : i32
        %dma_start3A_185 = tpu.memref_slice %arg2[%dma_start3A_183, %dma_start3A_184] : memref<1000000x32xf32, #tpu.memory_space<hbm>> -> memref<1000000x32xf32, #tpu.memory_space<hbm>>
        tpu.enqueue_indirect_dma source(%dma_start3A_185 : memref<1000000x32xf32, #tpu.memory_space<hbm>>) target(%arg7 : memref<512x32xf32, #tpu.memory_space<vmem>>) offsets(%dma_start3A_182 : memref<512xi32, #tpu.memory_space<vmem>>) semaphore(%arg12 : memref<!tpu.dma_semaphore, #tpu.memory_space<semaphore_mem>>)
      } else {
      }
      %dma_wait3A_142 = arith.constant 0 : i32
      %dma_wait3A_143 = arith.constant 0 : i32
      %dma_wait3A_144 = tpu.memref_slice %arg2[%dma_wait3A_142, %dma_wait3A_143] : memref<1000000x32xf32, #tpu.memory_space<hbm>> -> memref<512x32xf32, #tpu.memory_space<hbm>>
      %dma_wait3A_145 = arith.constant 0 : i32
      %dma_wait3A_146 = arith.constant 0 : i32
      %dma_wait3A_147 = tpu.memref_slice %arg2[%dma_wait3A_145, %dma_wait3A_146] : memref<1000000x32xf32, #tpu.memory_space<hbm>> -> memref<512x32xf32, #tpu.memory_space<hbm>>
      tpu.wait_dma2 semaphore(%arg18 : memref<!tpu.dma_semaphore, #tpu.memory_space<semaphore_mem>>) src(%dma_wait3A_147 : memref<512x32xf32, #tpu.memory_space<hbm>>) dst(%arg8 : memref<512x32xf32, #tpu.memory_space<vmem>>)
      %lt3A_148 = arith.constant 9 : i32
      %lt3A_149 = arith.cmpi slt, %scan3A_50, %lt3A_148 : i32
      %convert_element_type3A_150 = arith.extui %lt3A_149 : i1 to i32
      %cond3A_151 = arith.constant 0 : i32
      %cond3A_152 = arith.cmpi ne, %convert_element_type3A_150, %cond3A_151 : i32
      scf.if %cond3A_152 {
        %add3A_176 = arith.constant 5 : i32
        %add3A_177 = arith.addi %mul3A_53, %add3A_176 : i32
        %add3A_178 = arith.constant 2 : i32
        %add3A_179 = arith.addi %add3A_177, %add3A_178 : i32
        %dma_start3A_180 = arith.constant 0 : i32
        %dma_start3A_181 = tpu.memref_slice %arg5[%add3A_179, %dma_start3A_180] : memref<50x512xi32, #tpu.memory_space<vmem>> -> memref<1x512xi32, #tpu.memory_space<vmem>>
        %dma_start3A_182 = tpu.memref_squeeze %dma_start3A_181 : memref<1x512xi32, #tpu.memory_space<vmem>> -> memref<512xi32, #tpu.memory_space<vmem>>
        %dma_start3A_183 = arith.constant 0 : i32
        %dma_start3A_184 = arith.constant 0 : i32
        %dma_start3A_185 = tpu.memref_slice %arg2[%dma_start3A_183, %dma_start3A_184] : memref<1000000x32xf32, #tpu.memory_space<hbm>> -> memref<1000000x32xf32, #tpu.memory_space<hbm>>
        tpu.enqueue_indirect_dma source(%dma_start3A_185 : memref<1000000x32xf32, #tpu.memory_space<hbm>>) target(%arg8 : memref<512x32xf32, #tpu.memory_space<vmem>>) offsets(%dma_start3A_182 : memref<512xi32, #tpu.memory_space<vmem>>) semaphore(%arg13 : memref<!tpu.dma_semaphore, #tpu.memory_space<semaphore_mem>>)
      } else {
      }
      %dma_wait3A_153 = arith.constant 0 : i32
      %dma_wait3A_154 = arith.constant 0 : i32
      %dma_wait3A_155 = tpu.memref_slice %arg2[%dma_wait3A_153, %dma_wait3A_154] : memref<1000000x32xf32, #tpu.memory_space<hbm>> -> memref<512x32xf32, #tpu.memory_space<hbm>>
      %dma_wait3A_156 = arith.constant 0 : i32
      %dma_wait3A_157 = arith.constant 0 : i32
      %dma_wait3A_158 = tpu.memref_slice %arg2[%dma_wait3A_156, %dma_wait3A_157] : memref<1000000x32xf32, #tpu.memory_space<hbm>> -> memref<512x32xf32, #tpu.memory_space<hbm>>
      tpu.wait_dma2 semaphore(%arg19 : memref<!tpu.dma_semaphore, #tpu.memory_space<semaphore_mem>>) src(%dma_wait3A_158 : memref<512x32xf32, #tpu.memory_space<hbm>>) dst(%arg9 : memref<512x32xf32, #tpu.memory_space<vmem>>)
      %lt3A_159 = arith.constant 9 : i32
      %lt3A_160 = arith.cmpi slt, %scan3A_50, %lt3A_159 : i32
      %convert_element_type3A_161 = arith.extui %lt3A_160 : i1 to i32
      %cond3A_162 = arith.constant 0 : i32
      %cond3A_163 = arith.cmpi ne, %convert_element_type3A_161, %cond3A_162 : i32
      scf.if %cond3A_163 {
        %add3A_176 = arith.constant 5 : i32
        %add3A_177 = arith.addi %mul3A_53, %add3A_176 : i32
        %add3A_178 = arith.constant 3 : i32
        %add3A_179 = arith.addi %add3A_177, %add3A_178 : i32
        %dma_start3A_180 = arith.constant 0 : i32
        %dma_start3A_181 = tpu.memref_slice %arg5[%add3A_179, %dma_start3A_180] : memref<50x512xi32, #tpu.memory_space<vmem>> -> memref<1x512xi32, #tpu.memory_space<vmem>>
        %dma_start3A_182 = tpu.memref_squeeze %dma_start3A_181 : memref<1x512xi32, #tpu.memory_space<vmem>> -> memref<512xi32, #tpu.memory_space<vmem>>
        %dma_start3A_183 = arith.constant 0 : i32
        %dma_start3A_184 = arith.constant 0 : i32
        %dma_start3A_185 = tpu.memref_slice %arg2[%dma_start3A_183, %dma_start3A_184] : memref<1000000x32xf32, #tpu.memory_space<hbm>> -> memref<1000000x32xf32, #tpu.memory_space<hbm>>
        tpu.enqueue_indirect_dma source(%dma_start3A_185 : memref<1000000x32xf32, #tpu.memory_space<hbm>>) target(%arg9 : memref<512x32xf32, #tpu.memory_space<vmem>>) offsets(%dma_start3A_182 : memref<512xi32, #tpu.memory_space<vmem>>) semaphore(%arg14 : memref<!tpu.dma_semaphore, #tpu.memory_space<semaphore_mem>>)
      } else {
      }
      %dma_wait3A_164 = arith.constant 0 : i32
      %dma_wait3A_165 = arith.constant 0 : i32
      %dma_wait3A_166 = tpu.memref_slice %arg2[%dma_wait3A_164, %dma_wait3A_165] : memref<1000000x32xf32, #tpu.memory_space<hbm>> -> memref<512x32xf32, #tpu.memory_space<hbm>>
      %dma_wait3A_167 = arith.constant 0 : i32
      %dma_wait3A_168 = arith.constant 0 : i32
      %dma_wait3A_169 = tpu.memref_slice %arg2[%dma_wait3A_167, %dma_wait3A_168] : memref<1000000x32xf32, #tpu.memory_space<hbm>> -> memref<512x32xf32, #tpu.memory_space<hbm>>
      tpu.wait_dma2 semaphore(%arg20 : memref<!tpu.dma_semaphore, #tpu.memory_space<semaphore_mem>>) src(%dma_wait3A_169 : memref<512x32xf32, #tpu.memory_space<hbm>>) dst(%arg10 : memref<512x32xf32, #tpu.memory_space<vmem>>)
      %lt3A_170 = arith.constant 9 : i32
      %lt3A_171 = arith.cmpi slt, %scan3A_50, %lt3A_170 : i32
      %convert_element_type3A_172 = arith.extui %lt3A_171 : i1 to i32
      %cond3A_173 = arith.constant 0 : i32
      %cond3A_174 = arith.cmpi ne, %convert_element_type3A_172, %cond3A_173 : i32
      scf.if %cond3A_174 {
        %add3A_176 = arith.constant 5 : i32
        %add3A_177 = arith.addi %mul3A_53, %add3A_176 : i32
        %add3A_178 = arith.constant 4 : i32
        %add3A_179 = arith.addi %add3A_177, %add3A_178 : i32
        %dma_start3A_180 = arith.constant 0 : i32
        %dma_start3A_181 = tpu.memref_slice %arg5[%add3A_179, %dma_start3A_180] : memref<50x512xi32, #tpu.memory_space<vmem>> -> memref<1x512xi32, #tpu.memory_space<vmem>>
        %dma_start3A_182 = tpu.memref_squeeze %dma_start3A_181 : memref<1x512xi32, #tpu.memory_space<vmem>> -> memref<512xi32, #tpu.memory_space<vmem>>
        %dma_start3A_183 = arith.constant 0 : i32
        %dma_start3A_184 = arith.constant 0 : i32
        %dma_start3A_185 = tpu.memref_slice %arg2[%dma_start3A_183, %dma_start3A_184] : memref<1000000x32xf32, #tpu.memory_space<hbm>> -> memref<1000000x32xf32, #tpu.memory_space<hbm>>
        tpu.enqueue_indirect_dma source(%dma_start3A_185 : memref<1000000x32xf32, #tpu.memory_space<hbm>>) target(%arg10 : memref<512x32xf32, #tpu.memory_space<vmem>>) offsets(%dma_start3A_182 : memref<512xi32, #tpu.memory_space<vmem>>) semaphore(%arg15 : memref<!tpu.dma_semaphore, #tpu.memory_space<semaphore_mem>>)
      } else {
      }
      %scan3A_175 = arith.constant 0 : i32
      scf.yield %scan3A_175 : i32
    }
    %scan3A_49 = arith.constant 10 : i32
    return
  }
}

</mosaic_0001>

<sc_bundles>
// kernel: kernel.3.cloned.1.call-start
scs
__scs_entry_jumppad:
0x0: {  	(pc) =	sbr.rel $0x88, $3  }
0x1: {  	(tag) =	ssettag $0x0;
	lr =	simm.s32 $0x1  }
0x2: {  	[smem:$0x3F9F] =	sst lr;
	_ =	strace $0xD0000000  }
0x3: {  	_ = 	snop  }
0x4: {  	_ = 	snop  }
0x5: {  	_ = 	snop  }
0x6: {  	_ = 	snop  }
0x7: {  	_ = 	snop  }
__scs_overlays_trampoline_lowered:
0x8: {  	[smem:$0x3FAE] =	sst s0  }
0x9: {  	[smem:$0x3FAF] =	sst s1  }
0xa: {  	[smem:$0x3FB0] =	sst s2  }
0xb: {  	[smem:$0x3FB1] =	sst s3  }
0xc: {  	[smem:$0x3FB2] =	sst s4  }
0xd: {  	[smem:$0x3FB3] =	sst s5  }
0xe: {  	[smem:$0x3FB4] =	sst s6  }
0xf: {  	[smem:$0x3FB5] =	sst s7  }
0x10: {  	[smem:$0x3FB6] =	sst s8  }
0x11: {  	[smem:$0x3FB7] =	sst s9;
	s0 =	simm.s32 @!p0 $0x0  }
0x12: {  	s1 =	sld [smem:$0x3F9D];
	s0 =	simm.s32 @p0 $0x1  }
0x13: {  	[smem:$0x3FB8] =	sst s0;
	s0 =	simm.s32 @!p1 $0x0  }
0x14: {  	s2 =	sld [smem:$0x3F9C];
	s0 =	simm.s32 @p1 $0x1  }
0x15: {  	[smem:$0x3FB9] =	sst s0;
	s0 =	simm.s32 @!p2 $0x0  }
0x16: {  	s3 =	sld [smem:$0x3FDB];
	s0 =	simm.s32 @p2 $0x1  }
0x17: {  	s4 =	simm.s32 $0x1BF5;
	[smem:$0x3FBB] =	sst s0  }
0x18: {  	s0 =	sld [smem:$0x3F9E];
	_ =	swait.ge [sflag:s4], $0x0  }
0x19: {  	s7 =	sld [smem:$0x3F9F]  }
0x1a: {  	s8 =	sadd.s32 $0xFFFFE003, lr  }
0x1b: {  	s9 =	sadd.s32 $0xFFFFFEF7, lr;
	s5 =	simm.s32 $0xFFFFFFFF;
	p2 =	slt.u32 s8, $0xFFFFF086  }
0x1c: {  	p1 =	slt.u32 s9, $0xF7A;
	s5 =	simm.s32 @!p2 $0x0  }
0x1d: {  	s5 =	simm.s32 @p1 $0x1;
	p0 =	seq.s32 s7, s2  }
0x1e: {  	s7 =	smul.u32 @!p0 $0xF7A, s2;
	p2 =	seq.s32 @!p0 s5, $0x0  }
0x1f: {  	s9 =	smul.u32 $0xF7A, s1;
	s8 =	simm.s32 @!p0 $0x1BF5;
	p2 =	por !p2, p0  }
0x20: {  	[sflag:s8] =	ssyncset.s32 @!p0 $0xFFFFF086;
	s6 =	sadd.s32 @!p0 s3, s7;
	s7 =	simm.s32 @!p0 $0x108  }
0x21: {  	s3 =	sadd.s32 s3, s9;
	s6 =	sadd.s32 @!p0 $0x88, s6;
	s7 =	simm.s32 @p2 $0x1082  }
0x22: {  	[simem:s7], [sflag:s8] =	dma.local @!p0 [hbm:s6], $0xF7A  }
0x23: {  	s9 =	sor.u32 $0xD0000000, s2;
	s6 =	simm.s32 $0x108;
	_ =	swait.ge @!p0 [sflag:s8], $0x0  }
0x24: {  	s3 =	sadd.s32 $0x88, s3;
	s6 =	simm.s32 @!p1 $0x1082;
	[sflag:s4] =	ssyncset.s32 $0xFFFFF086  }
0x25: {  	[simem:s6], [sflag:s4] =	dma.local [hbm:s3], $0xF7A  }
0x26: {  	[smem:$0x3F9F] =	sst s1;
	(tag) =	ssettag s2;
	_ =	strace s9  }
0x27: {  	s1 =	sld [smem:$0x3FAF]  }
0x28: {  	s2 =	sld [smem:$0x3FB0]  }
0x29: {  	s4 =	sld [smem:$0x3FB2]  }
0x2a: {  	p0 =	seq.s32 s5, $0x0;
	s5 =	sld [smem:$0x3FB3]  }
0x2b: {  	s6 =	sld [smem:$0x3FB4]  }
0x2c: {  	s7 =	sld [smem:$0x3FB5]  }
0x2d: {  	s3 =	simm.s32 $0x108;
	s8 =	sld [smem:$0x3FB6]  }
0x2e: {  	s3 =	simm.s32 @!p0 $0x1082;
	s9 =	sld [smem:$0x3FB7]  }
0x2f: {  	lr =	sadd.s32 s0, s3;
	s0 =	sld [smem:$0x3FAE]  }
0x30: {  	s3 =	sld [smem:$0x3FB1]  }
0x31: {  	[smem:$0x3FBA] =	sst s10  }
0x32: {  	s10 =	sld [smem:$0x3FB8];
	_ =	sdelay $0x3  }
0x33: {  	p0 =	seq.s32 s10, $0x1;
	s10 =	sld [smem:$0x3FBA];
	_ =	sdelay $0x3  }
0x34: {  	[smem:$0x3FBA] =	sst s10  }
0x35: {  	s10 =	sld [smem:$0x3FB9];
	_ =	sdelay $0x3  }
0x36: {  	p1 =	seq.s32 s10, $0x1;
	s10 =	sld [smem:$0x3FBA];
	_ =	sdelay $0x3  }
0x37: {  	[smem:$0x3FBA] =	sst s10  }
0x38: {  	s10 =	sld [smem:$0x3FBB]  }
0x39: {  	_ = 	snop;
	(pc) =	sbr.ind lr, $3  }
0x3a: {  	_ = 	snop  }
0x3b: {  	_ = 	snop  }
0x3c: {  	p2 =	seq.s32 s10, $0x1;
	s10 =	sld [smem:$0x3FBA]  }
0x3d: {  	_ =	shalt  }
0x3e: {  	_ =	shalt  }
0x3f: {  	_ =	shalt  }
0x40: {  	_ =	shalt  }
0x41: {  	_ =	shalt  }
0x42: {  	_ =	shalt  }
0x43: {  	_ =	shalt  }
0x44: {  	_ =	shalt  }
0x45: {  	_ =	shalt  }
0x46: {  	_ =	shalt  }
0x47: {  	_ =	shalt  }
0x48: {  	_ =	shalt  }
0x49: {  	_ =	shalt  }
0x4a: {  	_ =	shalt  }
0x4b: {  	_ =	shalt  }
0x4c: {  	_ =	shalt  }
0x4d: {  	_ =	shalt  }
0x4e: {  	_ =	shalt  }
0x4f: {  	_ =	shalt  }
0x50: {  	_ =	shalt  }
0x51: {  	_ =	shalt  }
0x52: {  	_ =	shalt  }
0x53: {  	_ =	shalt  }
0x54: {  	_ =	shalt  }
0x55: {  	_ =	shalt  }
0x56: {  	_ =	shalt  }
0x57: {  	_ =	shalt  }
0x58: {  	_ =	shalt  }
0x59: {  	_ =	shalt  }
0x5a: {  	_ =	shalt  }
0x5b: {  	_ =	shalt  }
0x5c: {  	_ =	shalt  }
0x5d: {  	_ =	shalt  }
0x5e: {  	_ =	shalt  }
0x5f: {  	_ =	shalt  }
0x60: {  	_ =	shalt  }
0x61: {  	_ =	shalt  }
0x62: {  	_ =	shalt  }
0x63: {  	_ =	shalt  }
0x64: {  	_ =	shalt  }
0x65: {  	_ =	shalt  }
0x66: {  	_ =	shalt  }
0x67: {  	_ =	shalt  }
0x68: {  	_ =	shalt  }
0x69: {  	_ =	shalt  }
0x6a: {  	_ =	shalt  }
0x6b: {  	_ =	shalt  }
0x6c: {  	_ =	shalt  }
0x6d: {  	_ =	shalt  }
0x6e: {  	_ =	shalt  }
0x6f: {  	_ =	shalt  }
0x70: {  	_ =	shalt  }
0x71: {  	_ =	shalt  }
0x72: {  	_ =	shalt  }
0x73: {  	_ =	shalt  }
0x74: {  	_ =	shalt  }
0x75: {  	_ =	shalt  }
0x76: {  	_ =	shalt  }
0x77: {  	_ =	shalt  }
0x78: {  	_ =	shalt  }
0x79: {  	_ =	shalt  }
0x7a: {  	_ =	shalt  }
0x7b: {  	_ =	shalt  }
0x7c: {  	_ =	shalt  }
0x7d: {  	_ =	shalt  }
0x7e: {  	_ =	shalt  }
0x7f: {  	_ =	shalt  }
0x80: {  	_ =	shalt  }
0x81: {  	_ =	shalt  }
0x82: {  	_ =	shalt  }
0x83: {  	_ =	shalt  }
0x84: {  	_ =	shalt  }
0x85: {  	_ =	shalt  }
0x86: {  	_ =	shalt  }
0x87: {  	_ =	shalt  }
.Lfunc_end0:
.L_simem_size_0:
called_computation.1_lowered:
.L_overlay_start_0:
0x88: {  	s2 =	sld [smem:$0x3FD9]  }
0x89: {  	s3 =	sld [smem:$0x3FFE];
	_ =	sdelay $0x1  }
0x8a: {  	s1 =	srdreg.scid  }
0x8b: {  	s0 =	sand.u32 $0x1, s1  }
0x8c: {  	s17 =	sshll.u32 s0, $0xA;
	s2 =	sadd.s32 s3, s2  }
0x8d: {  	s2 =	sadd.s32 s2, s17  }
0x8e: {  	[smem:$0x3FC6] =	sst s2  }
0x8f: {  	_ = 	snop  }
0x90: {  	s2 =	sld [smem:$0x3FD0];
	(tm) =	ssettm $0x1  }
0x91: {  	s18 =	sld [smem:$0x3FFB];
	_ =	sdelay $0x3  }
0x92: {  	_ =	strace s18  }
0x93: {  	s3 =	sld [smem:$0x3FFC];
	_ =	sdelay $0x3  }
0x94: {  	_ =	strace s3  }
0x95: {  	s3 =	sld [smem:$0x3FFD];
	_ =	sdelay $0x3  }
0x96: {  	_ =	strace s3  }
0x97: {  	_ =	strace $0x8FFFFFFF  }
0x98: {  	s19 =	sld [smem:$0x3FDB];
	_ =	sdelay $0x1  }
0x99: {  	s4 =	simm.s32 $_scs_section_size  }
0x9a: {  	s5 =	simm.s32 $_size__tile_overlayer_lowered;
	s6 =	simm.s32 $_tile_overlayer_lowered  }
0x9b: {  	s22 =	simm.s32 $0x1BFF;
	s21 =	sshll.u32 s6, $0x1;
	s3 =	sadd.s32 s4, s19  }
0x9c: {  	s7 =	simm.s32 $0x0;
	s20 =	sshll.u32 s5, $0x1;
	s5 =	sadd.s32 s21, s3  }
0x9d: {  	[timem:s7], [sflag:s22] =	dma.local [hbm:s5], s20  }
0x9e: {  	_ =	swait.ge [sflag:s22], s20  }
0x9f: {  	s4 =	ssub.s32 $0x0, s20;
	[sflag:s22] =	ssyncset.done $0x0  }
0xa0: {  	[sflag:s22] =	ssyncadd.s32 s4;
	_ =	sdelay $0x1  }
0xa1: {  	s23 =	simm.s32 $0x1B8B  }
0xa2: {  	_ =	swait.ge [sflag:s23], $0x1  }
0xa3: {  	[sflag:s23] =	ssyncset.done $0x0  }
0xa4: {  	s25 =	simm.s32 $0x1B8E;
	s24 =	sld [smem:$0x3FFE];
	[sflag:s23] =	ssyncadd.s32 $0xFFFFFFFF  }
0xa5: {  	s26 =	simm.s32 $execute0_lowered;
	[smem:$0x3FD2] =	sst s25  }
0xa6: {  	s5 =	sshll.u32 s26, $0x1;
	_ =	strace $0x80000046;
	[dreg:$0x1] =	wrdreg $0xFFFFFFFF  }
0xa7: {  	s28 =	simm.s32 $_size_execute0_lowered;
	s3 =	sadd.s32 s3, s5;
	[dreg:$0x0] =	wrdreg $0x0  }
0xa8: {  	s5 =	sshll.u32 s28, $0x1;
	[dreg:$0x2] =	wrdreg s3  }
0xa9: {  	[dreg:$0x3] =	wrdreg s5  }
0xaa: {  	[dreg:$0x4] =	wrdreg $0xC0  }
0xab: {  	_ =	task [dreg:s7], $0x5FFFF  }
0xac: {  	[dreg:$0x1] =	wrdreg $0xFFFFFFFF  }
0xad: {  	[dreg:$0x0] =	wrdreg $0x60  }
0xae: {  	[dreg:$0x2] =	wrdreg s24  }
0xaf: {  	[dreg:$0x3] =	wrdreg s2  }
0xb0: {  	[dreg:$0x4] =	wrdreg $0x9  }
0xb1: {  	_ =	task.clear_ibuf [dreg:s7], $0x5FFFF;
	_ =	strace $0x90000046  }
0xb2: {  	s29 =	simm.s32 $0x9;
	_ =	strace $0x80000048  }
0xb3: {  	_ =	swait.ge [sflag:s29], $0x1  }
0xb4: {  	[sflag:s29] =	ssyncadd.s32 $0xFFFFFFFF  }
0xb5: {  	_ =	strace $0x90000048  }
0xb6: {  	_ =	sfence  }
0xb7: {  	s30 =	sld [smem:$0x0];
	_ =	sdelay $0x2  }
0xb8: {  	s31 =	sshll.u32 s1, $0xD;
	s1 =	sshrl.u32 s1, $0x2  }
0xb9: {  	s3 =	sand.u32 $0x4000, s31;
	s1 =	sadd.s32 s1, s30  }
0xba: {  	s0 =	sor.u32 s3, s0;
	s1 =	sshll.u32 s1, $0x11  }
0xbb: {  	s0 =	sor.u32 s1, s0  }
0xbc: {  	s0 =	sadd.s32 $0x8F2B, s0  }
0xbd: {  	[sflag:s0] =	ssyncadd.remote.s32 $0x1  }
0xbe: {  	_ =	sfence.sel $0xFFFF  }
0xbf: {  	[dreg:$0x0] =	wrdreg $0xFFFFFFFF;
	(pc) =	sbr.abs _section_cstart, $3  }
0xc0: {  	[dreg:$0x1] =	wrdreg $0xFFFFFFFF  }
0xc1: {  	_ =	task.clear_ibuf [dreg:s7], $0x2FFFF;
	_ =	strace $0x9FFFFFFF  }
0xc2: {  	(tm) =	ssettm $0x7FFFFFFF  }
0xc3: {  	_ =	shalt  }
tec
execute0_lowered:
.L_overlay_start_1:
0x0: {  	(tag) =	ssettag $0x1  }
0x1: {  	s0 =	rddreg [dreg:$0x0]  }
0x2: {  	s1 =	rddreg [dreg:$0x1];
	s2 =	simm.s32 $0x0  }
0x3: {  	s3 =	srdreg.scid;
	s6 =	stileid.u32;
	s11 =	simm.s32 $0x200  }
0x4: {  	s13 =	simm.s32 $0xB;
	s14 =	simm.s32 $0x6400;
	s15 =	simm.s32 $0xA400  }
0x5: {  	s17 =	simm.s32 $0xE400;
	s28 =	simm.s32 $0x4;
	s29 =	simm.s32 $0x5  }
0x6: {  	s30 =	simm.s32 $0x6;
	s31 =	simm.s32 $0x7;
	s12 =	simm.s32 $0xA  }
0x7: {  	s16 =	simm.s32 $0x0;
	[smem:$0x7FF] =	sst s2;
	s4 =	sand.u32 $0x1, s3  }
0x8: {  	s5 =	smul.u32 $0x190000, s6;
	s6 =	sshll.u32 s6, $0xA;
	s3 =	sadd.s32 $0xF42E00, s0  }
0x9: {  	s7 =	sshll.u32 s4, $0x9;
	s8 =	smul.u32 $0xC8000, s4;
	s4 =	ssub.s32 $0x2, s4  }
0xa: {  	_ =	strace $0x80000047;
	s6 =	sor.u32 s7, s6;
	s18 =	sshrl.u32 s4, $0x1  }
0xb: {  	s6 =	sshrl.u32 s6, $0x3;
	s5 =	sadd.s32 s8, s5;
	s4 =	ssub.s32 s4, s18  }
0xc: {  	s0 =	sadd.s32 s6, s0;
	s19 =	sor.u32 $0x80, s5;
	s21 =	sor.u32 $0x60, s5  }
0xd: {  	s4 =	smax.u32 s4, $0x1;
	s23 =	sor.u32 $0x40, s5;
	s24 =	sor.u32 $0x20, s5  }
0xe: {  	s25 =	sshrl.u32 s5, $0x3;
	s0 =	sadd.s32 $0xA00, s0;
	s20 =	sshrl.u32 s19, $0x3  }
0xf: {  	[dreg:$0x4] =	wrdreg s4;
	s22 =	sshrl.u32 s21, $0x3;
	s4 =	sshrl.u32 s24, $0x3  }
0x10: {  	s19 =	simm.s32 $0x12400;
	s21 =	simm.s32 $0x16400;
	s24 =	simm.s32 $0x640  }
0x11: {  	[dreg:$0x3] =	wrdreg s0;
	s0 =	sadd.s32 s20, s1;
	s26 =	sadd.s32 s4, s1  }
.Ltmp0:
0x12: {  	s20 =	sadd.s32 s25, s1;
	[dreg:$0x5] =	wrdreg s0;
	(pc) =	sbr.rel .LBB2_1-.Ltmp0, $4  }
0x13: {  	s25 =	simm.s32 $0x2;
	s0 =	sadd.s32 s22, s1;
	[dreg:$0x8] =	wrdreg s26  }
0x14: {  	s22 =	simm.s32 $0x1;
	[dreg:$0x6] =	wrdreg s0;
	s0 =	sshrl.u32 s23, $0x3  }
0x15: {  	s26 =	simm.s32 $0x3;
	s23 =	simm.s32 $0x20;
	s0 =	sadd.s32 s0, s1  }
0x16: {  	s1 =	simm.s32 $0x9;
	[dreg:$0x7] =	wrdreg s0;
	s0 =	simm.s32 $0x8  }
.LBB2_6:
0x17: {  	_ =	swait.ge [sflag:s31], $0x4000  }
0x18: {  	[sflag:s31] =	ssyncset.done $0x0  }
0x19: {  	[sflag:s31] =	ssyncadd.s32 $0xFFFFC000  }
0x1a: {  	_ =	swait.ge [sflag:s0], $0x4000  }
0x1b: {  	[sflag:s0] =	ssyncset.done $0x0  }
0x1c: {  	[sflag:s0] =	ssyncadd.s32 $0xFFFFC000  }
0x1d: {  	_ =	swait.ge [sflag:s1], $0x4000  }
0x1e: {  	[sflag:s1] =	ssyncset.done $0x0  }
0x1f: {  	[sflag:s1] =	ssyncadd.s32 $0xFFFFC000  }
0x20: {  	_ =	swait.ge [sflag:s12], $0x4000  }
0x21: {  	s16 =	sadd.s32 $0x1, s16;
	s4 =	rddreg [dreg:$0x4]  }
0x22: {  	p0 =	sne.s32 s16, s4  }
.Ltmp1:
0x23: {  	_ = 	snop;
	(pc) =	sbr.rel @!p0 .LBB2_7-.Ltmp1, $3  }
0x24: {  	_ =	sdelay $0x1  }
0x25: {  	[sflag:s12] =	ssyncset.done $0x0  }
0x26: {  	[sflag:s12] =	ssyncadd.s32 $0xFFFFC000  }
.LBB2_1:
0x27: {  	s4 =	rddreg [dreg:$0x3];
	s5 =	simm.s32 $0x4000  }
0x28: {  	[tilespmem:s2], [sflag:$0xB] =	stream.strided.gather [hbm4b:s4+s11], $0x6400, s5, s11, $0x38;
	[tilespmem:$0x1A400] =	vst v63  }
0x29: {  	s6 =	sand.u32 $0x1F800, s2;
	_ =	swait.ge [sflag:s13], $0x6400  }
0x2a: {  	s7 =	sand.u32 $0x1F0, s2;
	s6 =	sshrl.u32 s6, $0x2;
	[sflag:s13] =	ssyncset.done $0x0  }
0x2b: {  	s6 =	sor.u32 s7, s6;
	[sflag:s13] =	ssyncadd.s32 $0xFFFF9C00  }
0x2c: {  	v0 =	vld [tilespmem:s6+$0x0];
	_ =	sdelay $0x3  }
0x2d: {  	s18 =	simm.s32 $0x40  }
0x2e: {  	s8 =	simm.s32 $0x10;
	s9 =	sand.u32 $0x1F800, s18;
	s7 =	simm.s32 $0x80;
	vm0 =	vlt.s32 v0, $0x0;
	v1 =	vadd.s32 $0xF4240, v0  }
.LBB2_2:
0x2f: {  	p0 =	sne.s32 s7, $0x18FC0;
	s10 =	sand.u32 $0x1F0, s8;
	s9 =	sshrl.u32 s9, $0x2;
	v0 =	vsel vm0, v1, v0  }
0x30: {  	[tilespmem:s6+$0x0] =	vst v0;
	s6 =	sor.u32 s10, s9  }
0x31: {  	v0 =	vld [tilespmem:s6+$0x0]  }
.Ltmp2:
0x32: {  	(pc) =	sbr.rel @p0 .LBB2_2-.Ltmp2, $2  }
0x33: {  	_ =	sdelay $0x2  }
0x34: {  	s8 =	sadd.s32 $0x10, s8;
	s9 =	sand.u32 $0x1F800, s7;
	s7 =	sadd.s32 $0x40, s7;
	vm0 =	vlt.s32 v0, $0x0;
	v1 =	vadd.s32 $0xF4240, v0  }
0x35: {  	s7 =	sand.u32 $0x1F0, s8;
	s5 =	sshrl.u32 s9, $0x2;
	v0 =	vsel vm0, v1, v0  }
0x36: {  	s7 =	sor.u32 s7, s5;
	[tilespmem:s6+$0x0] =	vst v0  }
0x37: {  	v0 =	vld [tilespmem:s7+$0x0];
	_ =	sdelay $0x4  }
0x38: {  	vm15 =	vlt.s32 v0, $0x0;
	v63 =	vadd.s32 $0xF4240, v0  }
0x39: {  	v0 =	vsel vm15, v63, v0  }
0x3a: {  	s18 =	simm.s32 $0x0;
	[tilespmem:s7+$0x0] =	vst v0  }
0x3b: {  	[tilespmem:s14], [sflag:$0x1] =	stream.indirect.gather [hbm4b:s3+s11], $0x20, s18, s11, $0xb8;
	[tilespmem:$0x1A400] =	vst v63  }
0x3c: {  	_ = 	snop  }
0x3d: {  	[tilespmem:s15], [sflag:$0x2] =	stream.indirect.gather [hbm4b:s3+s11], $0x20, s11, s11, $0xb8;
	[tilespmem:$0x1A400] =	vst v63  }
0x3e: {  	s4 =	simm.s32 $0x400;
	s8 =	rddreg [dreg:$0x7]  }
0x3f: {  	[tilespmem:s17], [sflag:$0x3] =	stream.indirect.gather [hbm4b:s3+s11], $0x20, s4, s11, $0xb8;
	[tilespmem:$0x1A400] =	vst v63  }
0x40: {  	s9 =	simm.s32 $0x600;
	s6 =	rddreg [dreg:$0x5]  }
0x41: {  	[tilespmem:s19], [sflag:$0x4] =	stream.indirect.gather [hbm4b:s3+s11], $0x20, s9, s11, $0xb8;
	[tilespmem:$0x1A400] =	vst v63  }
0x42: {  	s10 =	simm.s32 $0x800;
	s7 =	rddreg [dreg:$0x6]  }
0x43: {  	[tilespmem:s21], [sflag:$0x5] =	stream.indirect.gather [hbm4b:s3+s11], $0x20, s10, s11, $0xb8;
	[tilespmem:$0x1A400] =	vst v63  }
0x44: {  	s9 =	rddreg [dreg:$0x8];
	s10 =	smov.u32 s20  }
.LBB2_4:
0x45: {  	_ =	swait.ge [sflag:s22], $0x4000  }
0x46: {  	[sflag:s22] =	ssyncset.done $0x0  }
0x47: {  	[sflag:s22] =	ssyncadd.s32 $0xFFFFC000  }
0x48: {  	[hbm4b:s10+s23] =	stream.strided.scatter [tilespmem:s14], [sflag:$0x6], $0x4000, s24, s23, $0x38;
	[tilespmem:$0x1A400] =	vst v63  }
0x49: {  	_ =	swait.ge [sflag:s25], $0x4000  }
0x4a: {  	[sflag:s25] =	ssyncset.done $0x0  }
0x4b: {  	[sflag:s25] =	ssyncadd.s32 $0xFFFFC000  }
0x4c: {  	[hbm4b:s9+s23] =	stream.strided.scatter [tilespmem:s15], [sflag:$0x7], $0x4000, s24, s23, $0x38;
	[tilespmem:$0x1A400] =	vst v63  }
0x4d: {  	_ =	swait.ge [sflag:s26], $0x4000  }
0x4e: {  	[sflag:s26] =	ssyncset.done $0x0  }
0x4f: {  	[sflag:s26] =	ssyncadd.s32 $0xFFFFC000  }
0x50: {  	[hbm4b:s8+s23] =	stream.strided.scatter [tilespmem:s17], [sflag:$0x8], $0x4000, s24, s23, $0x38;
	[tilespmem:$0x1A400] =	vst v63  }
0x51: {  	_ =	swait.ge [sflag:s28], $0x4000  }
0x52: {  	[sflag:s28] =	ssyncset.done $0x0  }
0x53: {  	[sflag:s28] =	ssyncadd.s32 $0xFFFFC000  }
0x54: {  	[hbm4b:s7+s23] =	stream.strided.scatter [tilespmem:s19], [sflag:$0x9], $0x4000, s24, s23, $0x38;
	[tilespmem:$0x1A400] =	vst v63  }
0x55: {  	_ =	swait.ge [sflag:s29], $0x4000  }
0x56: {  	p0 =	seq.s32 s18, $0x16800;
	[sflag:s29] =	ssyncset.done $0x0  }
.Ltmp3:
0x57: {  	[sflag:s29] =	ssyncadd.s32 $0xFFFFC000;
	(pc) =	sbr.rel @p0 .LBB2_6-.Ltmp3, $4  }
0x58: {  	[hbm4b:s6+s23] =	stream.strided.scatter [tilespmem:s21], [sflag:$0xA], $0x4000, s24, s23, $0x38;
	[tilespmem:$0x1A400] =	vst v63  }
0x59: {  	_ =	swait.ge [sflag:s30], $0x4000  }
0x5a: {  	[sflag:s30] =	ssyncset.done $0x0  }
0x5b: {  	[sflag:s30] =	ssyncadd.s32 $0xFFFFC000  }
0x5c: {  	s5 =	sshra.s32 s18, $0x2  }
0x5d: {  	s4 =	sadd.s32 $0xA00, s5  }
0x5e: {  	[tilespmem:s14], [sflag:$0x1] =	stream.indirect.gather [hbm4b:s3+s11], $0x20, s4, s11, $0xb8;
	[tilespmem:$0x1A400] =	vst v63  }
0x5f: {  	_ =	swait.ge [sflag:s31], $0x4000  }
0x60: {  	[sflag:s31] =	ssyncset.done $0x0  }
0x61: {  	s4 =	sadd.s32 $0xC00, s5;
	[sflag:s31] =	ssyncadd.s32 $0xFFFFC000  }
0x62: {  	[tilespmem:s15], [sflag:$0x2] =	stream.indirect.gather [hbm4b:s3+s11], $0x20, s4, s11, $0xb8;
	[tilespmem:$0x1A400] =	vst v63  }
0x63: {  	_ =	swait.ge [sflag:s0], $0x4000  }
0x64: {  	[sflag:s0] =	ssyncset.done $0x0  }
0x65: {  	s4 =	sadd.s32 $0xE00, s5;
	[sflag:s0] =	ssyncadd.s32 $0xFFFFC000  }
0x66: {  	[tilespmem:s17], [sflag:$0x3] =	stream.indirect.gather [hbm4b:s3+s11], $0x20, s4, s11, $0xb8;
	[tilespmem:$0x1A400] =	vst v63  }
0x67: {  	_ =	swait.ge [sflag:s1], $0x4000  }
0x68: {  	[sflag:s1] =	ssyncset.done $0x0  }
0x69: {  	s4 =	sadd.s32 $0x1000, s5;
	[sflag:s1] =	ssyncadd.s32 $0xFFFFC000  }
0x6a: {  	[tilespmem:s19], [sflag:$0x4] =	stream.indirect.gather [hbm4b:s3+s11], $0x20, s4, s11, $0xb8;
	[tilespmem:$0x1A400] =	vst v63  }
.Ltmp4:
0x6b: {  	s18 =	sadd.s32 $0x2800, s18;
	(pc) =	sbr.rel .LBB2_4-.Ltmp4, $4  }
0x6c: {  	s6 =	sadd.s32 $0x14, s6;
	s7 =	sadd.s32 $0x14, s7;
	_ =	swait.ge [sflag:s12], $0x4000  }
0x6d: {  	s8 =	sadd.s32 $0x14, s8;
	s9 =	sadd.s32 $0x14, s9;
	[sflag:s12] =	ssyncset.done $0x0  }
0x6e: {  	s10 =	sadd.s32 $0x14, s10;
	s5 =	sadd.s32 $0x1200, s5;
	[sflag:s12] =	ssyncadd.s32 $0xFFFFC000  }
0x6f: {  	[tilespmem:s21], [sflag:$0x5] =	stream.indirect.gather [hbm4b:s3+s11], $0x20, s5, s11, $0xb8;
	[tilespmem:$0x1A400] =	vst v63  }
.LBB2_7:
0x70: {  	_ =	sfence.sel $0x180000  }
0x71: {  	[bflag:$0x0] =	sbarrier.arrive $0xFFFF  }
0x72: {  	_ =	strace $0x90000047  }
0x73: {  	s0 =	stileid.u32;
	[bflag:$0x2] =	sbarrier.arrive $0xFFFF  }
0x74: {  	p0 =	sne.s32 s0, $0x0;
	s0 =	rddreg [dreg:$0x2]  }
0x75: {  	s0 =	sadd.s32 @!p0 $0x100000, s0  }
0x76: {  	[sflag:s0] =	ssyncadd.tile.s32 @!p0 $0x1;
	_ =	shalt  }
.Lfunc_end2:
_tile_overlayer_lowered:
.L_overlay_start_2:
0x77: {  	(tag) =	ssettag $0x2  }
0x78: {  	s0 =	rddreg [dreg:$0x0];
	s2 =	stileid.u32  }
0x79: {  	s1 =	rddreg [dreg:$0x1];
	p0 =	sne.s32 s2, $0x0  }
0x7a: {  	s3 =	rddreg [dreg:$0x2];
	[bflag:$0x3] =	sbarrier.arrive $0xFFFF;
	s2 =	simm.s32 @!p0 $0x1C0B  }
0x7b: {  	[timem:s3], [sflag:s2] =	dma.local @!p0 [hbm:s0], s1  }
0x7c: {  	s0 =	simm.s32 @!p0 $0xB  }
0x7d: {  	_ =	swait.ge @!p0 [sflag:s0], s1  }
0x7e: {  	s1 =	ssub.s32 @!p0 $0x0, s1;
	[sflag:s0] =	ssyncset.done @!p0 $0x0  }
0x7f: {  	[sflag:s0] =	ssyncadd.s32 @!p0 s1  }
0x80: {  	[bflag:$0x3] =	sbarrier.arrive $0xFFFF  }
0x81: {  	_ =	shalt  }

// kernel: sparse-core-data-format-call.cloned.1.call-start
scs
called_computation_lowered:
.L_overlay_start_0:
0x0: {  	s2 =	sld [smem:$0x3FD9]  }
0x1: {  	s3 =	sld [smem:$0x3FFE];
	_ =	sdelay $0x1  }
0x2: {  	s1 =	srdreg.scid  }
0x3: {  	s0 =	sand.u32 $0x1, s1  }
0x4: {  	s18 =	sshll.u32 s0, $0xA;
	s2 =	sadd.s32 s3, s2  }
0x5: {  	s2 =	sadd.s32 s2, s18  }
0x6: {  	[smem:$0x3FC6] =	sst s2  }
0x7: {  	_ = 	snop  }
0x8: {  	s2 =	sld [smem:$0x3FD0];
	(tm) =	ssettm $0x1  }
0x9: {  	s19 =	sld [smem:$0x3FFB];
	_ =	sdelay $0x3  }
0xa: {  	_ =	strace s19  }
0xb: {  	s3 =	sld [smem:$0x3FFC];
	_ =	sdelay $0x3  }
0xc: {  	_ =	strace s3  }
0xd: {  	s3 =	sld [smem:$0x3FFD];
	_ =	sdelay $0x3  }
0xe: {  	_ =	strace s3  }
0xf: {  	_ =	strace $0x8FFFFFFF  }
0x10: {  	s20 =	sld [smem:$0x3FDB];
	_ =	sdelay $0x1  }
0x11: {  	s4 =	simm.s32 $_scs_section_size  }
0x12: {  	s5 =	simm.s32 $_size__tile_overlayer_lowered;
	s6 =	simm.s32 $_tile_overlayer_lowered  }
0x13: {  	s23 =	simm.s32 $0x1BFF;
	s22 =	sshll.u32 s6, $0x1;
	s3 =	sadd.s32 s4, s20  }
0x14: {  	s7 =	simm.s32 $0x0;
	s21 =	sshll.u32 s5, $0x1;
	s5 =	sadd.s32 s22, s3  }
0x15: {  	[timem:s7], [sflag:s23] =	dma.local [hbm:s5], s21  }
0x16: {  	_ =	swait.ge [sflag:s23], s21  }
0x17: {  	s4 =	ssub.s32 $0x0, s21;
	[sflag:s23] =	ssyncset.done $0x0  }
0x18: {  	[sflag:s23] =	ssyncadd.s32 s4;
	_ =	sdelay $0x1  }
0x19: {  	s24 =	simm.s32 $0x1B8B  }
0x1a: {  	_ =	swait.ge [sflag:s24], $0x1  }
0x1b: {  	[sflag:s24] =	ssyncset.done $0x0  }
0x1c: {  	s26 =	simm.s32 $0x1B8E;
	s25 =	sld [smem:$0x3FFE];
	[sflag:s24] =	ssyncadd.s32 $0xFFFFFFFF  }
0x1d: {  	s27 =	simm.s32 $execute0_lowered;
	[smem:$0x3FD2] =	sst s26  }
0x1e: {  	s5 =	sshll.u32 s27, $0x1;
	_ =	strace $0x80000049;
	[dreg:$0x1] =	wrdreg $0xFFFFFFFF  }
0x1f: {  	s28 =	simm.s32 $_size_execute0_lowered;
	s3 =	sadd.s32 s3, s5;
	[dreg:$0x0] =	wrdreg $0x0  }
0x20: {  	s5 =	sshll.u32 s28, $0x1;
	[dreg:$0x2] =	wrdreg s3  }
0x21: {  	[dreg:$0x3] =	wrdreg s5  }
0x22: {  	[dreg:$0x4] =	wrdreg $0xC0  }
0x23: {  	_ =	task [dreg:s7], $0x5FFFF  }
0x24: {  	[dreg:$0x1] =	wrdreg $0xFFFFFFFF  }
0x25: {  	[dreg:$0x0] =	wrdreg $0x60  }
0x26: {  	[dreg:$0x2] =	wrdreg s25  }
0x27: {  	[dreg:$0x3] =	wrdreg s2  }
0x28: {  	[dreg:$0x4] =	wrdreg $0x9  }
0x29: {  	_ =	task.clear_ibuf [dreg:s7], $0x5FFFF;
	_ =	strace $0x90000049  }
0x2a: {  	s29 =	simm.s32 $0x9;
	_ =	strace $0x8000004B  }
0x2b: {  	_ =	swait.ge [sflag:s29], $0x1  }
0x2c: {  	[sflag:s29] =	ssyncadd.s32 $0xFFFFFFFF  }
0x2d: {  	_ =	strace $0x9000004B  }
0x2e: {  	_ =	sfence  }
0x2f: {  	s30 =	sld [smem:$0x0];
	_ =	sdelay $0x2  }
0x30: {  	s31 =	sshll.u32 s1, $0xD;
	s1 =	sshrl.u32 s1, $0x2  }
0x31: {  	s3 =	sand.u32 $0x4000, s31;
	s1 =	sadd.s32 s1, s30  }
0x32: {  	s0 =	sor.u32 s3, s0;
	s1 =	sshll.u32 s1, $0x11  }
0x33: {  	s0 =	sor.u32 s1, s0  }
0x34: {  	s0 =	sadd.s32 $0x8F2B, s0  }
0x35: {  	[sflag:s0] =	ssyncadd.remote.s32 $0x1  }
0x36: {  	_ =	sfence.sel $0xFFFF  }
0x37: {  	[dreg:$0x0] =	wrdreg $0xFFFFFFFF;
	(pc) =	sbr.abs _section_cstart, $3  }
0x38: {  	[dreg:$0x1] =	wrdreg $0xFFFFFFFF  }
0x39: {  	_ =	task.clear_ibuf [dreg:s7], $0x2FFFF;
	_ =	strace $0x9FFFFFFF  }
0x3a: {  	(tm) =	ssettm $0x7FFFFFFF  }
0x3b: {  	_ =	shalt  }
tec
execute0_lowered:
.L_overlay_start_1:
0x0: {  	(tag) =	ssettag $0x1  }
0x1: {  	s0 =	srdreg.scid  }
0x2: {  	s1 =	sshll.u32 s0, $0x4  }
0x3: {  	s0 =	stileid.u32;
	s1 =	sand.u32 $0x10, s1  }
0x4: {  	s1 =	sor.u32 s0, s1  }
0x5: {  	s6 =	rddreg [dreg:$0x0];
	s4 =	simm.s32 $0x1;
	s2 =	sshll.u32 s1, $0x7  }
0x6: {  	s7 =	simm.s32 $0x2;
	s12 =	simm.s32 $0x0;
	s1 =	ssub.s32 $0x4000, s2  }
0x7: {  	s8 =	simm.s32 $0x20000;
	s13 =	simm.s32 $0x0;
	s3 =	sand.u32 $0xF80, s1  }
0x8: {  	s9 =	simm.s32 $0x0;
	s5 =	sshrl.u32 s1, $0xC;
	p0 =	sne.s32 s3, $0x0  }
.Ltmp0:
0x9: {  	s1 =	rddreg [dreg:$0x2];
	s4 =	simm.s32 @!p0 $0x0;
	(pc) =	sbr.rel .LBB1_1-.Ltmp0, $4  }
0xa: {  	s11 =	simm.s32 $0x0;
	s3 =	rddreg [dreg:$0x1];
	s5 =	sadd.s32 s4, s5  }
0xb: {  	_ =	strace $0x8000004A;
	s4 =	simm.s32 $0x1;
	s5 =	smul.u32 $0x32, s5  }
0xc: {  	s6 =	sadd.s32 $0xA00, s6;
	s10 =	smov.u32 s2;
	[sflag:s4] =	ssyncpa.u1 $0x0  }
0xd: {  	p0 =	por $0x0, $0x0;
	[sflag:s7] =	ssyncpa.u1 $0x0;
	s7 =	sor.u32 $0x1, s5  }
.LBB1_4:
0xe: {  	s16 =	sshll.u32 s13, $0x3;
	s17 =	sand.u32 $0x78, s13  }
0xf: {  	s30 =	sand.u32 $0xF800, s13;
	s12 =	sshll.u32 s12, $0x10;
	s16 =	sand.u32 $0x3C00, s16  }
0x10: {  	s31 =	sand.u32 $0x7, s13;
	s16 =	sor.u32 s17, s16;
	s17 =	sadd.s32 s3, s30  }
0x11: {  	s13 =	sshll.u32 s31, $0x12;
	s16 =	sshrl.u32 s16, $0x3;
	s12 =	sadd.s32 s12, s17  }
0x12: {  	[tilespmem:s15+$0x0 ss:$0x81] =	vst.msk $0xffff, v0;
	s13 =	sor.u32 $0x400, s13;
	s12 =	sadd.s32 s16, s12  }
0x13: {  	[hbm4b:s12+s13] =	stream.strided.scatter [tilespmem:s14], [sflag:$0x2], $0x1000, s8, s13, $0x20;
	[tilespmem:$0x4040] =	vst v63  }
.LBB1_5:
0x14: {  	s14 =	sadd.s32 $0x1, s9  }
0x15: {  	s12 =	sadd.s32 $0x1000, s10;
	s16 =	smov.u32 s10;
	p2 =	sgt.s32 s14, $0x31  }
0x16: {  	s16 =	smov.u32 @p2 s12  }
0x17: {  	s14 =	simm.s32 @p2 $0x0;
	p2 =	sgt.s32 s16, $0x3FFF  }
0x18: {  	s16 =	smov.u32 @p2 s2;
	p2 =	sne.s32 s11, s7  }
.Ltmp1:
0x19: {  	p1 =	slt.u32 s11, $0x2;
	(pc) =	sbr.rel @!p2 .LBB1_6-.Ltmp1, $4  }
0x1a: {  	s15 =	simm.s32 @!p1 $0x2  }
0x1b: {  	s13 =	smov.u32 s10;
	p0 =	por !p0, !p0;
	_ =	swait.ge @!p1 [sflag:s15], $0x1000  }
0x1c: {  	s12 =	smov.u32 s9;
	[sflag:s15] =	ssyncset.done @!p1 $0x0;
	s9 =	smov.u32 s14  }
0x1d: {  	s11 =	sadd.s32 $0x1, s11;
	[sflag:s15] =	ssyncadd.s32 @!p1 $0xFFFFF000;
	s10 =	smov.u32 s16  }
.LBB1_1:
0x1e: {  	p1 =	sge.u32 s11, s5  }
0x1f: {  	s14 =	sand.u32 @!p1 $0x1FFFFFF, s9  }
0x20: {  	s15 =	smulhi.u32 @!p1 $0x4924925, s14;
	_ =	sdelay $0x1  }
0x21: {  	s15 =	smul.u32 @!p1 $0x38, s15  }
0x22: {  	s16 =	sxor.u32 @!p1 $0xFFFFFFFF, s11;
	s17 =	smul.u32 @!p1 $0x380, s10  }
0x23: {  	s31 =	sadd.s32 $0xFFFFFFFF, s11;
	s16 =	sshll.u32 @!p1 s16, $0xC;
	s14 =	ssub.s32 @!p1 s14, s15  }
0x24: {  	s15 =	sand.u32 @!p1 $0x1000, s16;
	s16 =	sadd.s32 @!p1 s6, s17;
	s14 =	sshll.u32 @!p1 s14, $0x4  }
0x25: {  	s17 =	simm.s32 @!p1 $0x1C00;
	s14 =	sadd.s32 @!p1 s14, s16;
	s16 =	simm.s32 @!p1 $0x20  }
0x26: {  	[tilespmem:s15], [sflag:$0x1] =	stream.strided.gather @!p1 [hbm4b:s14+s16], $0x1000, s17, s16, $0x38;
	[tilespmem:$0x4040] =	vst v63  }
0x27: {  	p1 =	sge.u32 s31, s5  }
.Ltmp2:
0x28: {  	_ = 	snop;
	(pc) =	sbr.rel @p1 .LBB1_5-.Ltmp2, $1  }
0x29: {  	_ =	sdelay $0x3  }
0x2a: {  	s14 =	simm.s32 $0x1  }
0x2b: {  	_ =	swait.ge [sflag:s4], $0x1000;
	s14 =	simm.s32 @!p0 $0x0  }
0x2c: {  	[sflag:s4] =	ssyncset.done $0x0;
	s15 =	sshll.u32 s14, $0xC  }
0x2d: {  	[sflag:s4] =	ssyncadd.s32 $0xFFFFF000;
	s18 =	sor.u32 $0x10, s15  }
0x2e: {  	s14 =	smul.u32 $0x4080, s14;
	v1 =	vld [tilespmem:s18+$0x0]  }
0x2f: {  	s30 =	sand.u32 $0x1, s11;
	v0 =	vld [tilespmem:s18+$0xFFFFFFF0]  }
0x30: {  	s15 =	smul.u32 $0x4080, s30;
	s14 =	sshrl.u32 s14, $0x2  }
0x31: {  	s16 =	sor.u32 $0x2000, s14  }
0x32: {  	s31 =	sshrl.u32 s15, $0x2;
	s15 =	sadd.s32 $0x0, s16  }
0x33: {  	s17 =	simm.s32 $0x4;
	s18 =	sadd.s32 $0x20, s18;
	s14 =	sor.u32 $0x2000, s31;
	[tilespmem:s15+$0x810 ss:$0x81] =	vst.msk $0xffff, v1  }
.LBB1_3:
0x34: {  	v1 =	vld [tilespmem:s18+$0x0];
	p1 =	sne.s32 s17, $0x1FC;
	[tilespmem:s15+$0x0 ss:$0x81] =	vst.msk $0xffff, v0;
	s15 =	smov.u32 s17;
	s17 =	sadd.s32 $0x4, s17  }
.Ltmp3:
0x35: {  	v0 =	vld [tilespmem:s18+$0xFFFFFFF0];
	(pc) =	sbr.rel @p1 .LBB1_3-.Ltmp3, $4  }
0x36: {  	_ = 	snop  }
0x37: {  	s15 =	sshra.s32 s15, $0x2  }
0x38: {  	s15 =	sadd.s32 s15, s16  }
0x39: {  	s18 =	sadd.s32 $0x20, s18;
	[tilespmem:s15+$0x810 ss:$0x81] =	vst.msk $0xffff, v1  }
.Ltmp4:
0x3a: {  	_ = 	snop;
	(pc) =	sbr.rel .LBB1_4-.Ltmp4, $1  }
0x3b: {  	_ =	sdelay $0x3  }
.LBB1_6:
0x3c: {  	_ =	sfence.sel $0x180000  }
0x3d: {  	s2 =	simm.s32 $0x1;
	[bflag:$0x0] =	sbarrier.arrive $0xFFFF  }
0x3e: {  	s31 =	simm.s32 $0x2;
	[sflag:s2] =	ssyncpa.u1 $0x1  }
0x3f: {  	[sflag:s31] =	ssyncpa.u1 $0x1  }
0x40: {  	p0 =	sne.s32 s0, $0x0;
	_ =	strace $0x9000004A  }
0x41: {  	s0 =	sadd.s32 @!p0 $0x100000, s1;
	[bflag:$0x2] =	sbarrier.arrive $0xFFFF  }
0x42: {  	[sflag:s0] =	ssyncadd.tile.s32 @!p0 $0x1;
	_ =	shalt  }
.Lfunc_end1:
_tile_overlayer_lowered:
.L_overlay_start_2:
0x43: {  	(tag) =	ssettag $0x2  }
0x44: {  	s0 =	rddreg [dreg:$0x0];
	s2 =	stileid.u32  }
0x45: {  	s1 =	rddreg [dreg:$0x1];
	p0 =	sne.s32 s2, $0x0  }
0x46: {  	s3 =	rddreg [dreg:$0x2];
	[bflag:$0x3] =	sbarrier.arrive $0xFFFF;
	s2 =	simm.s32 @!p0 $0x1C01  }
0x47: {  	[timem:s3], [sflag:s2] =	dma.local @!p0 [hbm:s0], s1  }
0x48: {  	s0 =	simm.s32 @!p0 $0x1  }
0x49: {  	_ =	swait.ge @!p0 [sflag:s0], s1  }
0x4a: {  	s1 =	ssub.s32 @!p0 $0x0, s1;
	[sflag:s0] =	ssyncset.done @!p0 $0x0  }
0x4b: {  	[sflag:s0] =	ssyncadd.s32 @!p0 s1  }
0x4c: {  	[bflag:$0x3] =	sbarrier.arrive $0xFFFF  }
0x4d: {  	_ =	shalt  }

</sc_bundles>
